<compile_context>
chip_gen: v7x
topology: tpu7x:2x2x1
jax: 0.10.2.dev20260603
libtpu: 0.0.44.dev20260713+nightly
codegen_flags: <defaults>
</compile_context>

<pallas_src>
import functools

import jax
import jax.numpy as jnp
from jax import lax
from jax.experimental import pallas as pl
from jax.experimental.pallas import tpu as pltpu
from jax.experimental.pallas import tpu_sc as plsc

DIM = 768
N_EXPERTS = 64
TOP_K = 8
BLOCK_T = 2048
NWORKERS = 32
LANES = 16


def _scores_block(x_ref, w_ref, b_ref, s_ref):
    s_ref[...] = (jnp.dot(x_ref[...], w_ref[...],
                          preferred_element_type=jnp.float32) + b_ref[...])


def _tc_scores(xf, wt, bias):
    t = xf.shape[0]
    bt = min(BLOCK_T, t)
    return pl.pallas_call(
        _scores_block,
        grid=(pl.cdiv(t, bt),),
        in_specs=[
            pl.BlockSpec((bt, DIM), lambda i: (i, 0)),
            pl.BlockSpec((DIM, N_EXPERTS), lambda i: (0, 0)),
            pl.BlockSpec((1, N_EXPERTS), lambda i: (0, 0)),
        ],
        out_specs=pl.BlockSpec((bt, N_EXPERTS), lambda i: (i, 0)),
        out_shape=jax.ShapeDtypeStruct((t, N_EXPERTS), jnp.float32),
    )(xf, wt, bias)


def _merge16(ak, av, bk, bv):
    rbk = lax.rev(bk, (0,))
    rbv = lax.rev(bv, (0,))
    take = ak >= rbk
    mk = jnp.where(take, ak, rbk)
    mv = jnp.where(take, av, rbv)
    return plsc.sort_key_val(mk, mv, descending=True)


def _sc_router_body(s_hbm, w_hbm, i_hbm, sv, wv, iv, kscr, vscr):
    wid = lax.axis_index("s") * 2 + lax.axis_index("c")
    tpw = sv.shape[0] // N_EXPERTS
    base = wid * tpw
    pltpu.sync_copy(s_hbm.at[pl.ds(base * N_EXPERTS, tpw * N_EXPERTS)], sv)

    lane = lax.iota(jnp.int32, LANES)
    lo8 = lane < 8
    ninf = jnp.float32(-jnp.inf)

    def body(t, carry):
        srt = []
        for j in range(4):
            k = sv[pl.ds(t * N_EXPERTS + j * LANES, LANES)]
            srt.append(plsc.sort_key_val(k, lane + j * LANES, descending=True))
        m01k, m01v = _merge16(*srt[0], *srt[1])
        m23k, m23v = _merge16(*srt[2], *srt[3])
        kscr[pl.ds(0, LANES)] = lax.rev(m23k, (0,))
        vscr[pl.ds(0, LANES)] = lax.rev(m23v, (0,))
        xk = kscr[pl.ds(8, LANES)]
        xv = vscr[pl.ds(8, LANES)]
        take = m01k >= xk
        fk = jnp.where(take & lo8, m01k, jnp.where(lo8, xk, ninf))
        fv = jnp.where(take, m01v, xv)
        fk, fv = plsc.sort_key_val(fk, fv, descending=True)
        e = jnp.exp(fk - jnp.max(fk))
        w = e / (jnp.sum(e) + 1e-8)
        wv[pl.ds(t * LANES, LANES)] = w
        iv[pl.ds(t * LANES, LANES)] = fv
        return carry

    lax.fori_loop(0, tpw, body, 0)
    pltpu.sync_copy(wv, w_hbm.at[pl.ds(base * LANES, tpw * LANES)])
    pltpu.sync_copy(iv, i_hbm.at[pl.ds(base * LANES, tpw * LANES)])


def _sc_router(scores_flat, t):
    tpw = t // NWORKERS
    mesh = plsc.VectorSubcoreMesh(core_axis_name="c", subcore_axis_name="s")
    return pl.kernel(
        _sc_router_body,
        out_type=[
            jax.ShapeDtypeStruct((t * LANES,), jnp.float32),
            jax.ShapeDtypeStruct((t * LANES,), jnp.int32),
        ],
        mesh=mesh,
        scratch_types=[
            pltpu.VMEM((tpw * N_EXPERTS,), jnp.float32),
            pltpu.VMEM((tpw * LANES,), jnp.float32),
            pltpu.VMEM((tpw * LANES,), jnp.int32),
            pltpu.VMEM((32,), jnp.float32),
            pltpu.VMEM((32,), jnp.int32),
        ],
        compiler_params=pltpu.CompilerParams(needs_layout_passes=False),
    )(scores_flat)


@functools.partial(jax.jit, static_argnames=())
def kernel(x, gate_weight, adaptive_bias):
    orig_shape = x.shape
    xf = x.reshape(-1, orig_shape[-1])
    t = xf.shape[0]
    wt = gate_weight.T
    bias = adaptive_bias.reshape(1, N_EXPERTS)
    scores = _tc_scores(xf, wt, bias)
    w16, i16 = _sc_router(scores.reshape(-1), t)
    wts = w16.reshape(t, LANES)[:, :TOP_K]
    idx = i16.reshape(t, LANES)[:, :TOP_K]
    if len(orig_shape) == 3:
        wts = wts.reshape(orig_shape[0], orig_shape[1], TOP_K)
        idx = idx.reshape(orig_shape[0], orig_shape[1], TOP_K)
    return (wts, idx)

# --- scband reference (transcript-rebuilt; emitter-appended) ---
"""Pipeline reference for scband-mo-egate-66099546685735 (READ-ONLY COPY).

The authoritative reference and input builder live on the scoring server;
editing this copy changes nothing except your own understanding.
"""

import jax, jax.numpy as jnp
import numpy as np

DIM = 768
N_EXPERTS = 64
TOP_K = 8

def setup_inputs(seed: int = 0) -> dict:
    key = jax.random.key(seed)
    k1, k2 = jax.random.split(key)
    x = jax.random.normal(k1, (4, 8192, DIM), dtype=jnp.float32)
    gate_weight = jax.random.normal(k2, (N_EXPERTS, DIM), dtype=jnp.float32) * 0.02
    adaptive_bias = jnp.zeros((N_EXPERTS,), dtype=jnp.float32)
    return {"x": x, "gate_weight": gate_weight, "adaptive_bias": adaptive_bias}

def reference(x, gate_weight, adaptive_bias):
    original_shape = x.shape
    if x.ndim == 3:
        batch_size, seq_len, dim = x.shape
        xf = x.reshape(-1, dim)
    else:
        batch_size, dim = x.shape
        seq_len = 1
        xf = x
    # scores = F.linear(x, gate_weight) -> x @ gate_weight.T
    scores = xf @ gate_weight.T
    scores = scores + adaptive_bias[None, :]
    probs = jax.nn.softmax(scores, axis=-1)
    top_k_weights, top_k_indices = jax.lax.top_k(probs, TOP_K)
    top_k_weights = top_k_weights / (jnp.sum(top_k_weights, axis=-1, keepdims=True) + 1e-08)
    if len(original_shape) == 3:
        top_k_weights = top_k_weights.reshape(batch_size, seq_len, TOP_K)
        top_k_indices = top_k_indices.reshape(batch_size, seq_len, TOP_K)
    return (top_k_weights, top_k_indices)

if __name__ == "__main__":
    import jax
    _d = setup_inputs()
    print(jax.jit(kernel)(*tuple(_d.values())))

</pallas_src>

<mosaic_0001>
#map = affine_map<(d0, d1) -> (0)>
module attributes {stable_mosaic.version = 14 : i64} {
  func.func @_sc_router_body(%arg0: i32, %arg1: i32, %arg2: memref<2097152xf32, #tpu.memory_space<hbm>>, %arg3: memref<524288xf32, #tpu.memory_space<hbm>>, %arg4: memref<524288xi32, #tpu.memory_space<hbm>>, %arg5: memref<65536xf32, #tpu.memory_space<vmem>>, %arg6: memref<16384xf32, #tpu.memory_space<vmem>>, %arg7: memref<16384xi32, #tpu.memory_space<vmem>>, %arg8: memref<32xf32, #tpu.memory_space<vmem>>, %arg9: memref<32xi32, #tpu.memory_space<vmem>>) attributes {dimension_semantics = [#tpu.dimension_semantics<core_parallel>, #tpu.dimension_semantics<subcore_parallel>], iteration_bounds = array<i64: 2, 16>, scalar_prefetch = 0 : i64, scratch_operands = 5 : i64, tpu.core_type = #tpu.core_type<sc_vector_subcore>, window_params = [{transform_indices = #map}, {transform_indices = #map}, {transform_indices = #map}]} {
    %mul3A = arith.constant 2 : i32
    %mul3A_0 = arith.muli %arg1, %mul3A : i32
    %add3A = arith.addi %mul3A_0, %arg0 : i32
    %mul3A_1 = arith.constant 1024 : i32
    %mul3A_2 = arith.muli %add3A, %mul3A_1 : i32
    %mul3A_3 = arith.constant 64 : i32
    %mul3A_4 = arith.muli %mul3A_2, %mul3A_3 : i32
    "tpu.region"() ({
      %run_scoped3A = tpu.sem_alloc : memref<!tpu.dma_semaphore, #tpu.memory_space<semaphore_mem>>
      %dma_start3A = tpu.memref_slice %arg2[%mul3A_4] : memref<2097152xf32, #tpu.memory_space<hbm>> -> memref<65536xf32, #tpu.memory_space<hbm>>
      %dma_start3A_17 = tpu.memref_slice %arg2[%mul3A_4] : memref<2097152xf32, #tpu.memory_space<hbm>> -> memref<65536xf32, #tpu.memory_space<hbm>>
      tpu.enqueue_dma source(%dma_start3A_17 : memref<65536xf32, #tpu.memory_space<hbm>>) target(%arg5 : memref<65536xf32, #tpu.memory_space<vmem>>) target_semaphore(%run_scoped3A : memref<!tpu.dma_semaphore, #tpu.memory_space<semaphore_mem>>)
      %dma_wait3A = tpu.memref_slice %arg2[%mul3A_4] : memref<2097152xf32, #tpu.memory_space<hbm>> -> memref<65536xf32, #tpu.memory_space<hbm>>
      %dma_wait3A_18 = tpu.memref_slice %arg2[%mul3A_4] : memref<2097152xf32, #tpu.memory_space<hbm>> -> memref<65536xf32, #tpu.memory_space<hbm>>
      tpu.wait_dma2 semaphore(%run_scoped3A : memref<!tpu.dma_semaphore, #tpu.memory_space<semaphore_mem>>) src(%dma_wait3A_18 : memref<65536xf32, #tpu.memory_space<hbm>>) dst(%arg5 : memref<65536xf32, #tpu.memory_space<vmem>>)
      tpu.yield
    }) : () -> ()
    %iota3A = tpu.iota {dimensions = array<i32: 0>} : vector<16xi32>
    %lt3A = arith.constant 8 : i32
    %lt3A_5 = vector.broadcast %lt3A : i32 to vector<16xi32>
    %lt3A_6 = arith.cmpi slt, %iota3A, %lt3A_5 : vector<16xi32>
    %scan3A = arith.constant 0 : i32
    %scan3A_7 = arith.constant 0xFF800000 : f32
    %scan3A_8 = arith.constant 0 : i32
    %scan3A_9 = arith.constant 1024 : i32
    %scan3A_10 = arith.addi %scan3A_8, %scan3A_9 : i32
    %scan3A_11 = arith.constant 1 : i32
    scf.for %scan3A_17 = %scan3A_8 to %scan3A_10 step %scan3A_11  : i32 {
      %mul3A_18 = arith.constant 64 : i32
      %mul3A_19 = arith.muli %scan3A_17, %mul3A_18 : i32
      %add3A_20 = arith.constant 0 : i32
      %add3A_21 = arith.addi %mul3A_19, %add3A_20 : i32
      %get3A = arith.index_cast %add3A_21 : i32 to index
      %get3A_22 = tpu.vector_load %arg5[%get3A] {strides = array<i32>} : memref<65536xf32, #tpu.memory_space<vmem>>, vector<16xf32>,
      %add3A_23 = arith.constant 0 : i32
      %add3A_24 = vector.broadcast %add3A_23 : i32 to vector<16xi32>
      %add3A_25 = arith.addi %iota3A, %add3A_24 : vector<16xi32>
      %masked_sort3A = arith.constant dense<true> : vector<16xi1>
      %masked_sort3A_26, %masked_sort3A_27, %masked_sort3A_28 = tpu.sort %get3A_22, %add3A_25 masked %masked_sort3A {descending = true} : (vector<16xf32>, vector<16xi32>, vector<16xi1>) -> (vector<16xi1>, vector<16xf32>, vector<16xi32>)
      %mul3A_29 = arith.constant 64 : i32
      %mul3A_30 = arith.muli %scan3A_17, %mul3A_29 : i32
      %add3A_31 = arith.constant 16 : i32
      %add3A_32 = arith.addi %mul3A_30, %add3A_31 : i32
      %get3A_33 = arith.index_cast %add3A_32 : i32 to index
      %get3A_34 = tpu.vector_load %arg5[%get3A_33] {strides = array<i32>} : memref<65536xf32, #tpu.memory_space<vmem>>, vector<16xf32>,
      %add3A_35 = arith.constant 16 : i32
      %add3A_36 = vector.broadcast %add3A_35 : i32 to vector<16xi32>
      %add3A_37 = arith.addi %iota3A, %add3A_36 : vector<16xi32>
      %masked_sort3A_38 = arith.constant dense<true> : vector<16xi1>
      %masked_sort3A_39, %masked_sort3A_40, %masked_sort3A_41 = tpu.sort %get3A_34, %add3A_37 masked %masked_sort3A_38 {descending = true} : (vector<16xf32>, vector<16xi32>, vector<16xi1>) -> (vector<16xi1>, vector<16xf32>, vector<16xi32>)
      %mul3A_42 = arith.constant 64 : i32
      %mul3A_43 = arith.muli %scan3A_17, %mul3A_42 : i32
      %add3A_44 = arith.constant 32 : i32
      %add3A_45 = arith.addi %mul3A_43, %add3A_44 : i32
      %get3A_46 = arith.index_cast %add3A_45 : i32 to index
      %get3A_47 = tpu.vector_load %arg5[%get3A_46] {strides = array<i32>} : memref<65536xf32, #tpu.memory_space<vmem>>, vector<16xf32>,
      %add3A_48 = arith.constant 32 : i32
      %add3A_49 = vector.broadcast %add3A_48 : i32 to vector<16xi32>
      %add3A_50 = arith.addi %iota3A, %add3A_49 : vector<16xi32>
      %masked_sort3A_51 = arith.constant dense<true> : vector<16xi1>
      %masked_sort3A_52, %masked_sort3A_53, %masked_sort3A_54 = tpu.sort %get3A_47, %add3A_50 masked %masked_sort3A_51 {descending = true} : (vector<16xf32>, vector<16xi32>, vector<16xi1>) -> (vector<16xi1>, vector<16xf32>, vector<16xi32>)
      %mul3A_55 = arith.constant 64 : i32
      %mul3A_56 = arith.muli %scan3A_17, %mul3A_55 : i32
      %add3A_57 = arith.constant 48 : i32
      %add3A_58 = arith.addi %mul3A_56, %add3A_57 : i32
      %get3A_59 = arith.index_cast %add3A_58 : i32 to index
      %get3A_60 = tpu.vector_load %arg5[%get3A_59] {strides = array<i32>} : memref<65536xf32, #tpu.memory_space<vmem>>, vector<16xf32>,
      %add3A_61 = arith.constant 48 : i32
      %add3A_62 = vector.broadcast %add3A_61 : i32 to vector<16xi32>
      %add3A_63 = arith.addi %iota3A, %add3A_62 : vector<16xi32>
      %masked_sort3A_64 = arith.constant dense<true> : vector<16xi1>
      %masked_sort3A_65, %masked_sort3A_66, %masked_sort3A_67 = tpu.sort %get3A_60, %add3A_63 masked %masked_sort3A_64 {descending = true} : (vector<16xf32>, vector<16xi32>, vector<16xi1>) -> (vector<16xi1>, vector<16xf32>, vector<16xi32>)
      %rev3A = arith.constant 15 : i32
      %rev3A_68 = vector.broadcast %rev3A : i32 to vector<16xi32>
      %rev3A_69 = tpu.iota {dimensions = array<i32: 0>} : vector<16xi32>
      %rev3A_70 = arith.subi %rev3A_68, %rev3A_69 : vector<16xi32>
      %rev3A_71 = tpu.dynamic_gather %masked_sort3A_40[%rev3A_70] in [0] : vector<16xf32>, vector<16xi32> -> vector<16xf32>
      %rev3A_72 = arith.constant 15 : i32
      %rev3A_73 = vector.broadcast %rev3A_72 : i32 to vector<16xi32>
      %rev3A_74 = tpu.iota {dimensions = array<i32: 0>} : vector<16xi32>
      %rev3A_75 = arith.subi %rev3A_73, %rev3A_74 : vector<16xi32>
      %rev3A_76 = tpu.dynamic_gather %masked_sort3A_41[%rev3A_75] in [0] : vector<16xi32>, vector<16xi32> -> vector<16xi32>
      %ge3A = arith.cmpf oge, %masked_sort3A_27, %rev3A_71 : vector<16xf32>
      %select_n3A = arith.select %ge3A, %masked_sort3A_27, %rev3A_71 : vector<16xi1>, vector<16xf32>
      %select_n3A_77 = arith.select %ge3A, %masked_sort3A_28, %rev3A_76 : vector<16xi1>, vector<16xi32>
      %masked_sort3A_78 = arith.constant dense<true> : vector<16xi1>
      %masked_sort3A_79, %masked_sort3A_80, %masked_sort3A_81 = tpu.sort %select_n3A, %select_n3A_77 masked %masked_sort3A_78 {descending = true} : (vector<16xf32>, vector<16xi32>, vector<16xi1>) -> (vector<16xi1>, vector<16xf32>, vector<16xi32>)
      %rev3A_82 = arith.constant 15 : i32
      %rev3A_83 = vector.broadcast %rev3A_82 : i32 to vector<16xi32>
      %rev3A_84 = tpu.iota {dimensions = array<i32: 0>} : vector<16xi32>
      %rev3A_85 = arith.subi %rev3A_83, %rev3A_84 : vector<16xi32>
      %rev3A_86 = tpu.dynamic_gather %masked_sort3A_66[%rev3A_85] in [0] : vector<16xf32>, vector<16xi32> -> vector<16xf32>
      %rev3A_87 = arith.constant 15 : i32
      %rev3A_88 = vector.broadcast %rev3A_87 : i32 to vector<16xi32>
      %rev3A_89 = tpu.iota {dimensions = array<i32: 0>} : vector<16xi32>
      %rev3A_90 = arith.subi %rev3A_88, %rev3A_89 : vector<16xi32>
      %rev3A_91 = tpu.dynamic_gather %masked_sort3A_67[%rev3A_90] in [0] : vector<16xi32>, vector<16xi32> -> vector<16xi32>
      %ge3A_92 = arith.cmpf oge, %masked_sort3A_53, %rev3A_86 : vector<16xf32>
      %select_n3A_93 = arith.select %ge3A_92, %masked_sort3A_53, %rev3A_86 : vector<16xi1>, vector<16xf32>
      %select_n3A_94 = arith.select %ge3A_92, %masked_sort3A_54, %rev3A_91 : vector<16xi1>, vector<16xi32>
      %masked_sort3A_95 = arith.constant dense<true> : vector<16xi1>
      %masked_sort3A_96, %masked_sort3A_97, %masked_sort3A_98 = tpu.sort %select_n3A_93, %select_n3A_94 masked %masked_sort3A_95 {descending = true} : (vector<16xf32>, vector<16xi32>, vector<16xi1>) -> (vector<16xi1>, vector<16xf32>, vector<16xi32>)
      %rev3A_99 = arith.constant 15 : i32
      %rev3A_100 = vector.broadcast %rev3A_99 : i32 to vector<16xi32>
      %rev3A_101 = tpu.iota {dimensions = array<i32: 0>} : vector<16xi32>
      %rev3A_102 = arith.subi %rev3A_100, %rev3A_101 : vector<16xi32>
      %rev3A_103 = tpu.dynamic_gather %masked_sort3A_97[%rev3A_102] in [0] : vector<16xf32>, vector<16xi32> -> vector<16xf32>
      %swap3A = arith.constant 0 : index
      %swap3A_104 = tpu.vector_load %arg8[%swap3A] {strides = array<i32>} : memref<32xf32, #tpu.memory_space<vmem>>, vector<16xf32>,
      tpu.vector_store %arg8[%swap3A], %rev3A_103 {strides = array<i32>} : memref<32xf32, #tpu.memory_space<vmem>>, vector<16xf32>,
      %rev3A_105 = arith.constant 15 : i32
      %rev3A_106 = vector.broadcast %rev3A_105 : i32 to vector<16xi32>
      %rev3A_107 = tpu.iota {dimensions = array<i32: 0>} : vector<16xi32>
      %rev3A_108 = arith.subi %rev3A_106, %rev3A_107 : vector<16xi32>
      %rev3A_109 = tpu.dynamic_gather %masked_sort3A_98[%rev3A_108] in [0] : vector<16xi32>, vector<16xi32> -> vector<16xi32>
      %swap3A_110 = arith.constant 0 : index
      %swap3A_111 = tpu.vector_load %arg9[%swap3A_110] {strides = array<i32>} : memref<32xi32, #tpu.memory_space<vmem>>, vector<16xi32>,
      tpu.vector_store %arg9[%swap3A_110], %rev3A_109 {strides = array<i32>} : memref<32xi32, #tpu.memory_space<vmem>>, vector<16xi32>,
      %get3A_112 = arith.constant 8 : index
      %get3A_113 = tpu.vector_load %arg8[%get3A_112] {strides = array<i32>} : memref<32xf32, #tpu.memory_space<vmem>>, vector<16xf32>,
      %get3A_114 = arith.constant 8 : index
      %get3A_115 = tpu.vector_load %arg9[%get3A_114] {strides = array<i32>} : memref<32xi32, #tpu.memory_space<vmem>>, vector<16xi32>,
      %ge3A_116 = arith.cmpf oge, %masked_sort3A_80, %get3A_113 : vector<16xf32>
      %and3A = arith.andi %ge3A_116, %lt3A_6 : vector<16xi1>
      %broadcast_in_dim3A = vector.broadcast %scan3A_7 : f32 to vector<16xf32>
      %select_n3A_117 = arith.select %lt3A_6, %get3A_113, %broadcast_in_dim3A : vector<16xi1>, vector<16xf32>
      %select_n3A_118 = arith.select %and3A, %masked_sort3A_80, %select_n3A_117 : vector<16xi1>, vector<16xf32>
      %select_n3A_119 = arith.select %ge3A_116, %masked_sort3A_81, %get3A_115 : vector<16xi1>, vector<16xi32>
      %masked_sort3A_120 = arith.constant dense<true> : vector<16xi1>
      %masked_sort3A_121, %masked_sort3A_122, %masked_sort3A_123 = tpu.sort %select_n3A_118, %select_n3A_119 masked %masked_sort3A_120 {descending = true} : (vector<16xf32>, vector<16xi32>, vector<16xi1>) -> (vector<16xi1>, vector<16xf32>, vector<16xi32>)
      %reduce_max3A = arith.constant true
      %reduce_max3A_124 = vector.broadcast %reduce_max3A : i1 to vector<16xi1>
      %reduce_max3A_125 = tpu.scan <max>, %masked_sort3A_122 masked %reduce_max3A_124 : vector<16xf32>, vector<16xi1> -> vector<16xf32>
      %reduce_max3A_126 = vector.extract %reduce_max3A_125[15] : f32 from vector<16xf32>
      %sub3A = vector.broadcast %reduce_max3A_126 : f32 to vector<16xf32>
      %sub3A_127 = arith.subf %masked_sort3A_122, %sub3A : vector<16xf32>
      %exp3A = math.exp %sub3A_127 : vector<16xf32>
      %reduce_sum3A = arith.constant true
      %reduce_sum3A_128 = vector.broadcast %reduce_sum3A : i1 to vector<16xi1>
      %reduce_sum3A_129 = tpu.scan <sum>, %exp3A masked %reduce_sum3A_128 : vector<16xf32>, vector<16xi1> -> vector<16xf32>
      %reduce_sum3A_130 = vector.extract %reduce_sum3A_129[15] : f32 from vector<16xf32>
      %add3A_131 = arith.constant 9.99999993E-9 : f32
      %add3A_132 = arith.addf %reduce_sum3A_130, %add3A_131 : f32
      %div3A = vector.broadcast %add3A_132 : f32 to vector<16xf32>
      %div3A_133 = arith.divf %exp3A, %div3A : vector<16xf32>
      %mul3A_134 = arith.constant 16 : i32
      %mul3A_135 = arith.muli %scan3A_17, %mul3A_134 : i32
      %swap3A_136 = arith.index_cast %mul3A_135 : i32 to index
      %swap3A_137 = tpu.vector_load %arg6[%swap3A_136] {strides = array<i32>} : memref<16384xf32, #tpu.memory_space<vmem>>, vector<16xf32>,
      tpu.vector_store %arg6[%swap3A_136], %div3A_133 {strides = array<i32>} : memref<16384xf32, #tpu.memory_space<vmem>>, vector<16xf32>,
      %mul3A_138 = arith.constant 16 : i32
      %mul3A_139 = arith.muli %scan3A_17, %mul3A_138 : i32
      %swap3A_140 = arith.index_cast %mul3A_139 : i32 to index
      %swap3A_141 = tpu.vector_load %arg7[%swap3A_140] {strides = array<i32>} : memref<16384xi32, #tpu.memory_space<vmem>>, vector<16xi32>,
      tpu.vector_store %arg7[%swap3A_140], %masked_sort3A_123 {strides = array<i32>} : memref<16384xi32, #tpu.memory_space<vmem>>, vector<16xi32>,
    }
    %scan3A_12 = arith.constant 1024 : i32
    %mul3A_13 = arith.constant 16 : i32
    %mul3A_14 = arith.muli %mul3A_2, %mul3A_13 : i32
    "tpu.region"() ({
      %run_scoped3A = tpu.sem_alloc : memref<!tpu.dma_semaphore, #tpu.memory_space<semaphore_mem>>
      %dma_start3A = tpu.memref_slice %arg3[%mul3A_14] : memref<524288xf32, #tpu.memory_space<hbm>> -> memref<16384xf32, #tpu.memory_space<hbm>>
      %dma_start3A_17 = tpu.memref_slice %arg3[%mul3A_14] : memref<524288xf32, #tpu.memory_space<hbm>> -> memref<16384xf32, #tpu.memory_space<hbm>>
      tpu.enqueue_dma source(%arg6 : memref<16384xf32, #tpu.memory_space<vmem>>) target(%dma_start3A_17 : memref<16384xf32, #tpu.memory_space<hbm>>) target_semaphore(%run_scoped3A : memref<!tpu.dma_semaphore, #tpu.memory_space<semaphore_mem>>)
      %dma_wait3A = tpu.memref_slice %arg3[%mul3A_14] : memref<524288xf32, #tpu.memory_space<hbm>> -> memref<16384xf32, #tpu.memory_space<hbm>>
      %dma_wait3A_18 = tpu.memref_slice %arg3[%mul3A_14] : memref<524288xf32, #tpu.memory_space<hbm>> -> memref<16384xf32, #tpu.memory_space<hbm>>
      tpu.wait_dma2 semaphore(%run_scoped3A : memref<!tpu.dma_semaphore, #tpu.memory_space<semaphore_mem>>) src(%arg6 : memref<16384xf32, #tpu.memory_space<vmem>>) dst(%dma_wait3A_18 : memref<16384xf32, #tpu.memory_space<hbm>>)
      tpu.yield
    }) : () -> ()
    %mul3A_15 = arith.constant 16 : i32
    %mul3A_16 = arith.muli %mul3A_2, %mul3A_15 : i32
    "tpu.region"() ({
      %run_scoped3A = tpu.sem_alloc : memref<!tpu.dma_semaphore, #tpu.memory_space<semaphore_mem>>
      %dma_start3A = tpu.memref_slice %arg4[%mul3A_16] : memref<524288xi32, #tpu.memory_space<hbm>> -> memref<16384xi32, #tpu.memory_space<hbm>>
      %dma_start3A_17 = tpu.memref_slice %arg4[%mul3A_16] : memref<524288xi32, #tpu.memory_space<hbm>> -> memref<16384xi32, #tpu.memory_space<hbm>>
      tpu.enqueue_dma source(%arg7 : memref<16384xi32, #tpu.memory_space<vmem>>) target(%dma_start3A_17 : memref<16384xi32, #tpu.memory_space<hbm>>) target_semaphore(%run_scoped3A : memref<!tpu.dma_semaphore, #tpu.memory_space<semaphore_mem>>)
      %dma_wait3A = tpu.memref_slice %arg4[%mul3A_16] : memref<524288xi32, #tpu.memory_space<hbm>> -> memref<16384xi32, #tpu.memory_space<hbm>>
      %dma_wait3A_18 = tpu.memref_slice %arg4[%mul3A_16] : memref<524288xi32, #tpu.memory_space<hbm>> -> memref<16384xi32, #tpu.memory_space<hbm>>
      tpu.wait_dma2 semaphore(%run_scoped3A : memref<!tpu.dma_semaphore, #tpu.memory_space<semaphore_mem>>) src(%arg7 : memref<16384xi32, #tpu.memory_space<vmem>>) dst(%dma_wait3A_18 : memref<16384xi32, #tpu.memory_space<hbm>>)
      tpu.yield
    }) : () -> ()
    return
  }
}

module attributes {stable_mosaic.version = 14 : i64} {
  func.func @_scores_block(%arg0: i32, %arg1: memref<2048x768xf32, #tpu.memory_space<vmem>>, %arg2: memref<768x64xf32, #tpu.memory_space<vmem>>, %arg3: memref<1x64xf32, #tpu.memory_space<vmem>>, %arg4: memref<2048x64xf32, #tpu.memory_space<vmem>>) attributes {dimension_semantics = [#tpu.dimension_semantics<arbitrary>], iteration_bounds = array<i64: 16>, scalar_prefetch = 0 : i64, scratch_operands = 0 : i64, tpu.core_type = #tpu.core_type<tc>, window_params = [{transform_indices = @transform_0, window_bounds = array<i64: 2048, 768>}, {pipeline_mode = #tpu.pipeline_mode<synchronous>, transform_indices = @transform_1, window_bounds = array<i64: 768, 64>}, {pipeline_mode = #tpu.pipeline_mode<synchronous>, transform_indices = @transform_2, window_bounds = array<i64: 1, 64>}, {transform_indices = @transform_3, window_bounds = array<i64: 2048, 64>}]} {
    %get3A = arith.constant 0 : index
    %get3A_0 = arith.constant 0 : index
    %get3A_1 = vector.load %arg1[%get3A, %get3A_0] : memref<2048x768xf32, #tpu.memory_space<vmem>>, vector<2048x768xf32>
    %get3A_2 = arith.constant 0 : index
    %get3A_3 = arith.constant 0 : index
    %get3A_4 = vector.load %arg2[%get3A_2, %get3A_3] : memref<768x64xf32, #tpu.memory_space<vmem>>, vector<768x64xf32>
    %dot_general3A = arith.constant dense<0.000000e+00> : vector<2048x64xf32>
    %dot_general3A_5 = tpu.matmul %get3A_1, %get3A_4, %dot_general3A {dimension_numbers = #tpu.dot_dimension_numbers<[1], [0], [0], [1], [0, 0, 1, 1], [], []>, transpose_lhs_hint = false} : vector<2048x768xf32>, vector<768x64xf32>, vector<2048x64xf32> -> vector<2048x64xf32>
    %get3A_6 = arith.constant 0 : index
    %get3A_7 = arith.constant 0 : index
    %get3A_8 = vector.load %arg3[%get3A_6, %get3A_7] : memref<1x64xf32, #tpu.memory_space<vmem>>, vector<1x64xf32>
    %add3A = vector.broadcast %get3A_8 : vector<1x64xf32> to vector<2048x64xf32>
    %add3A_9 = arith.addf %dot_general3A_5, %add3A : vector<2048x64xf32>
    %swap3A = arith.constant 0 : index
    %swap3A_10 = arith.constant 0 : index
    %swap3A_11 = vector.load %arg4[%swap3A, %swap3A_10] : memref<2048x64xf32, #tpu.memory_space<vmem>>, vector<2048x64xf32>
    tpu.vector_store %arg4[%swap3A, %swap3A_10], %add3A_9 {strides = array<i32>} : memref<2048x64xf32, #tpu.memory_space<vmem>>, vector<2048x64xf32>,
    return
  }
  func.func @transform_0(%arg0: i32) -> (i32, i32) {
    %c0_i32 = arith.constant 0 : i32
    %c0_i32_0 = arith.constant 0 : i32
    return %arg0, %c0_i32 : i32, i32
  }
  func.func @transform_1(%arg0: i32) -> (i32, i32) {
    %c0_i32 = arith.constant 0 : i32
    %c0_i32_0 = arith.constant 0 : i32
    %c0_i32_1 = arith.constant 0 : i32
    return %c0_i32, %c0_i32_0 : i32, i32
  }
  func.func @transform_2(%arg0: i32) -> (i32, i32) {
    %c0_i32 = arith.constant 0 : i32
    %c0_i32_0 = arith.constant 0 : i32
    %c0_i32_1 = arith.constant 0 : i32
    return %c0_i32, %c0_i32_0 : i32, i32
  }
  func.func @transform_3(%arg0: i32) -> (i32, i32) {
    %c0_i32 = arith.constant 0 : i32
    %c0_i32_0 = arith.constant 0 : i32
    return %arg0, %c0_i32 : i32, i32
  }
}

</mosaic_0001>

<sc_bundles>
// kernel: kernel.4.cloned.1.call-start
scs
__scs_entry_jumppad:
0x0: {  	(pc) =	sbr.rel $0x88, $3  }
0x1: {  	(tag) =	ssettag $0x0;
	lr =	simm.s32 $0x1  }
0x2: {  	[smem:$0x3F9E] =	sst lr;
	_ =	strace $0xD0000000  }
0x3: {  	_ = 	snop  }
0x4: {  	_ = 	snop  }
0x5: {  	_ = 	snop  }
0x6: {  	_ = 	snop  }
0x7: {  	_ = 	snop  }
__scs_overlays_trampoline_lowered:
0x8: {  	[smem:$0x3FAD] =	sst s0  }
0x9: {  	[smem:$0x3FAE] =	sst s1  }
0xa: {  	[smem:$0x3FAF] =	sst s2  }
0xb: {  	[smem:$0x3FB0] =	sst s3  }
0xc: {  	[smem:$0x3FB1] =	sst s4  }
0xd: {  	[smem:$0x3FB2] =	sst s5  }
0xe: {  	[smem:$0x3FB3] =	sst s6  }
0xf: {  	[smem:$0x3FB4] =	sst s7  }
0x10: {  	[smem:$0x3FB5] =	sst s8  }
0x11: {  	[smem:$0x3FB6] =	sst s9;
	s0 =	simm.s32 @!p0 $0x0  }
0x12: {  	s1 =	sld [smem:$0x3F9C];
	s0 =	simm.s32 @p0 $0x1  }
0x13: {  	[smem:$0x3FB7] =	sst s0;
	s0 =	simm.s32 @!p1 $0x0  }
0x14: {  	s2 =	sld [smem:$0x3F9B];
	s0 =	simm.s32 @p1 $0x1  }
0x15: {  	[smem:$0x3FB8] =	sst s0;
	s0 =	simm.s32 @!p2 $0x0  }
0x16: {  	s3 =	sld [smem:$0x3FDB];
	s0 =	simm.s32 @p2 $0x1  }
0x17: {  	s4 =	simm.s32 $0x1BF5;
	[smem:$0x3FBA] =	sst s0  }
0x18: {  	s0 =	sld [smem:$0x3F9D];
	_ =	swait.ge [sflag:s4], $0x0  }
0x19: {  	s7 =	sld [smem:$0x3F9E]  }
0x1a: {  	s8 =	sadd.s32 $0xFFFFE003, lr  }
0x1b: {  	s9 =	sadd.s32 $0xFFFFFEF7, lr;
	s5 =	simm.s32 $0xFFFFFFFF;
	p2 =	slt.u32 s8, $0xFFFFF086  }
0x1c: {  	p1 =	slt.u32 s9, $0xF7A;
	s5 =	simm.s32 @!p2 $0x0  }
0x1d: {  	s5 =	simm.s32 @p1 $0x1;
	p0 =	seq.s32 s7, s2  }
0x1e: {  	s7 =	smul.u32 @!p0 $0xF7A, s2;
	p2 =	seq.s32 @!p0 s5, $0x0  }
0x1f: {  	s9 =	smul.u32 $0xF7A, s1;
	s8 =	simm.s32 @!p0 $0x1BF5;
	p2 =	por !p2, p0  }
0x20: {  	[sflag:s8] =	ssyncset.s32 @!p0 $0xFFFFF086;
	s6 =	sadd.s32 @!p0 s3, s7;
	s7 =	simm.s32 @!p0 $0x108  }
0x21: {  	s3 =	sadd.s32 s3, s9;
	s6 =	sadd.s32 @!p0 $0x88, s6;
	s7 =	simm.s32 @p2 $0x1082  }
0x22: {  	[simem:s7], [sflag:s8] =	dma.local @!p0 [hbm:s6], $0xF7A  }
0x23: {  	s9 =	sor.u32 $0xD0000000, s2;
	s6 =	simm.s32 $0x108;
	_ =	swait.ge @!p0 [sflag:s8], $0x0  }
0x24: {  	s3 =	sadd.s32 $0x88, s3;
	s6 =	simm.s32 @!p1 $0x1082;
	[sflag:s4] =	ssyncset.s32 $0xFFFFF086  }
0x25: {  	[simem:s6], [sflag:s4] =	dma.local [hbm:s3], $0xF7A  }
0x26: {  	[smem:$0x3F9E] =	sst s1;
	(tag) =	ssettag s2;
	_ =	strace s9  }
0x27: {  	s1 =	sld [smem:$0x3FAE]  }
0x28: {  	s2 =	sld [smem:$0x3FAF]  }
0x29: {  	s4 =	sld [smem:$0x3FB1]  }
0x2a: {  	p0 =	seq.s32 s5, $0x0;
	s5 =	sld [smem:$0x3FB2]  }
0x2b: {  	s6 =	sld [smem:$0x3FB3]  }
0x2c: {  	s7 =	sld [smem:$0x3FB4]  }
0x2d: {  	s3 =	simm.s32 $0x108;
	s8 =	sld [smem:$0x3FB5]  }
0x2e: {  	s3 =	simm.s32 @!p0 $0x1082;
	s9 =	sld [smem:$0x3FB6]  }
0x2f: {  	lr =	sadd.s32 s0, s3;
	s0 =	sld [smem:$0x3FAD]  }
0x30: {  	s3 =	sld [smem:$0x3FB0]  }
0x31: {  	[smem:$0x3FB9] =	sst s10  }
0x32: {  	s10 =	sld [smem:$0x3FB7];
	_ =	sdelay $0x3  }
0x33: {  	p0 =	seq.s32 s10, $0x1;
	s10 =	sld [smem:$0x3FB9];
	_ =	sdelay $0x3  }
0x34: {  	[smem:$0x3FB9] =	sst s10  }
0x35: {  	s10 =	sld [smem:$0x3FB8];
	_ =	sdelay $0x3  }
0x36: {  	p1 =	seq.s32 s10, $0x1;
	s10 =	sld [smem:$0x3FB9];
	_ =	sdelay $0x3  }
0x37: {  	[smem:$0x3FB9] =	sst s10  }
0x38: {  	s10 =	sld [smem:$0x3FBA]  }
0x39: {  	_ = 	snop;
	(pc) =	sbr.ind lr, $3  }
0x3a: {  	_ = 	snop  }
0x3b: {  	_ = 	snop  }
0x3c: {  	p2 =	seq.s32 s10, $0x1;
	s10 =	sld [smem:$0x3FB9]  }
0x3d: {  	_ =	shalt  }
0x3e: {  	_ =	shalt  }
0x3f: {  	_ =	shalt  }
0x40: {  	_ =	shalt  }
0x41: {  	_ =	shalt  }
0x42: {  	_ =	shalt  }
0x43: {  	_ =	shalt  }
0x44: {  	_ =	shalt  }
0x45: {  	_ =	shalt  }
0x46: {  	_ =	shalt  }
0x47: {  	_ =	shalt  }
0x48: {  	_ =	shalt  }
0x49: {  	_ =	shalt  }
0x4a: {  	_ =	shalt  }
0x4b: {  	_ =	shalt  }
0x4c: {  	_ =	shalt  }
0x4d: {  	_ =	shalt  }
0x4e: {  	_ =	shalt  }
0x4f: {  	_ =	shalt  }
0x50: {  	_ =	shalt  }
0x51: {  	_ =	shalt  }
0x52: {  	_ =	shalt  }
0x53: {  	_ =	shalt  }
0x54: {  	_ =	shalt  }
0x55: {  	_ =	shalt  }
0x56: {  	_ =	shalt  }
0x57: {  	_ =	shalt  }
0x58: {  	_ =	shalt  }
0x59: {  	_ =	shalt  }
0x5a: {  	_ =	shalt  }
0x5b: {  	_ =	shalt  }
0x5c: {  	_ =	shalt  }
0x5d: {  	_ =	shalt  }
0x5e: {  	_ =	shalt  }
0x5f: {  	_ =	shalt  }
0x60: {  	_ =	shalt  }
0x61: {  	_ =	shalt  }
0x62: {  	_ =	shalt  }
0x63: {  	_ =	shalt  }
0x64: {  	_ =	shalt  }
0x65: {  	_ =	shalt  }
0x66: {  	_ =	shalt  }
0x67: {  	_ =	shalt  }
0x68: {  	_ =	shalt  }
0x69: {  	_ =	shalt  }
0x6a: {  	_ =	shalt  }
0x6b: {  	_ =	shalt  }
0x6c: {  	_ =	shalt  }
0x6d: {  	_ =	shalt  }
0x6e: {  	_ =	shalt  }
0x6f: {  	_ =	shalt  }
0x70: {  	_ =	shalt  }
0x71: {  	_ =	shalt  }
0x72: {  	_ =	shalt  }
0x73: {  	_ =	shalt  }
0x74: {  	_ =	shalt  }
0x75: {  	_ =	shalt  }
0x76: {  	_ =	shalt  }
0x77: {  	_ =	shalt  }
0x78: {  	_ =	shalt  }
0x79: {  	_ =	shalt  }
0x7a: {  	_ =	shalt  }
0x7b: {  	_ =	shalt  }
0x7c: {  	_ =	shalt  }
0x7d: {  	_ =	shalt  }
0x7e: {  	_ =	shalt  }
0x7f: {  	_ =	shalt  }
0x80: {  	_ =	shalt  }
0x81: {  	_ =	shalt  }
0x82: {  	_ =	shalt  }
0x83: {  	_ =	shalt  }
0x84: {  	_ =	shalt  }
0x85: {  	_ =	shalt  }
0x86: {  	_ =	shalt  }
0x87: {  	_ =	shalt  }
.Lfunc_end0:
.L_simem_size_0:
called_computation_lowered:
.L_overlay_start_0:
0x88: {  	s2 =	sld [smem:$0x3FD9]  }
0x89: {  	s3 =	sld [smem:$0x3FFE];
	_ =	sdelay $0x1  }
0x8a: {  	s1 =	srdreg.scid  }
0x8b: {  	s0 =	sand.u32 $0x1, s1  }
0x8c: {  	s16 =	sshll.u32 s0, $0xA;
	s2 =	sadd.s32 s3, s2  }
0x8d: {  	s2 =	sadd.s32 s2, s16  }
0x8e: {  	[smem:$0x3FC5] =	sst s2  }
0x8f: {  	_ = 	snop  }
0x90: {  	(tm) =	ssettm $0x1  }
0x91: {  	s17 =	sld [smem:$0x3FFB];
	_ =	sdelay $0x3  }
0x92: {  	_ =	strace s17  }
0x93: {  	s2 =	sld [smem:$0x3FFC];
	_ =	sdelay $0x3  }
0x94: {  	_ =	strace s2  }
0x95: {  	s2 =	sld [smem:$0x3FFD];
	_ =	sdelay $0x3  }
0x96: {  	_ =	strace s2  }
0x97: {  	_ =	strace $0x8FFFFFFF  }
0x98: {  	s18 =	sld [smem:$0x3FDB];
	_ =	sdelay $0x1  }
0x99: {  	s19 =	simm.s32 $_scs_section_size  }
0x9a: {  	s4 =	simm.s32 $_size__tile_overlayer_lowered;
	s5 =	simm.s32 $_tile_overlayer_lowered  }
0x9b: {  	s22 =	simm.s32 $0x1BFF;
	s21 =	sshll.u32 s5, $0x1;
	s2 =	sadd.s32 s19, s18  }
0x9c: {  	s6 =	simm.s32 $0x0;
	s20 =	sshll.u32 s4, $0x1;
	s4 =	sadd.s32 s21, s2  }
0x9d: {  	[timem:s6], [sflag:s22] =	dma.local [hbm:s4], s20  }
0x9e: {  	_ =	swait.ge [sflag:s22], s20  }
0x9f: {  	s3 =	ssub.s32 $0x0, s20;
	[sflag:s22] =	ssyncset.done $0x0  }
0xa0: {  	[sflag:s22] =	ssyncadd.s32 s3;
	_ =	sdelay $0x1  }
0xa1: {  	s23 =	simm.s32 $0x1B8B  }
0xa2: {  	_ =	swait.ge [sflag:s23], $0x1  }
0xa3: {  	[sflag:s23] =	ssyncset.done $0x0  }
0xa4: {  	s25 =	simm.s32 $0x1B8E;
	s24 =	sld [smem:$0x3FFE];
	[sflag:s23] =	ssyncadd.s32 $0xFFFFFFFF  }
0xa5: {  	s26 =	simm.s32 $execute0_lowered;
	[smem:$0x3FD2] =	sst s25  }
0xa6: {  	s4 =	sshll.u32 s26, $0x1;
	_ =	strace $0x80000046;
	[dreg:$0x1] =	wrdreg $0xFFFFFFFF  }
0xa7: {  	s28 =	simm.s32 $_size_execute0_lowered;
	s2 =	sadd.s32 s2, s4;
	[dreg:$0x0] =	wrdreg $0x0  }
0xa8: {  	s4 =	sshll.u32 s28, $0x1;
	[dreg:$0x2] =	wrdreg s2  }
0xa9: {  	[dreg:$0x3] =	wrdreg s4  }
0xaa: {  	[dreg:$0x4] =	wrdreg $0xC0  }
0xab: {  	_ =	task [dreg:s6], $0x5FFFF  }
0xac: {  	[dreg:$0x1] =	wrdreg $0xFFFFFFFF  }
0xad: {  	[dreg:$0x0] =	wrdreg $0x60  }
0xae: {  	[dreg:$0x2] =	wrdreg s24  }
0xaf: {  	[dreg:$0x3] =	wrdreg $0x9  }
0xb0: {  	_ =	task.clear_ibuf [dreg:s6], $0x4FFFF;
	_ =	strace $0x90000046  }
0xb1: {  	s29 =	simm.s32 $0x9;
	_ =	strace $0x80000048  }
0xb2: {  	_ =	swait.ge [sflag:s29], $0x1  }
0xb3: {  	[sflag:s29] =	ssyncadd.s32 $0xFFFFFFFF  }
0xb4: {  	_ =	strace $0x90000048  }
0xb5: {  	_ =	sfence  }
0xb6: {  	s30 =	sld [smem:$0x0];
	_ =	sdelay $0x2  }
0xb7: {  	s31 =	sshll.u32 s1, $0xD;
	s1 =	sshrl.u32 s1, $0x2  }
0xb8: {  	s3 =	sand.u32 $0x4000, s31;
	s1 =	sadd.s32 s1, s30  }
0xb9: {  	s0 =	sor.u32 s3, s0;
	s1 =	sshll.u32 s1, $0x11  }
0xba: {  	s0 =	sor.u32 s1, s0  }
0xbb: {  	s0 =	sadd.s32 $0x8F2B, s0  }
0xbc: {  	[sflag:s0] =	ssyncadd.remote.s32 $0x1  }
0xbd: {  	_ =	sfence.sel $0xFFFF  }
0xbe: {  	[dreg:$0x0] =	wrdreg $0xFFFFFFFF;
	(pc) =	sbr.abs _section_cstart, $3  }
0xbf: {  	[dreg:$0x1] =	wrdreg $0xFFFFFFFF  }
0xc0: {  	_ =	task.clear_ibuf [dreg:s6], $0x2FFFF;
	_ =	strace $0x9FFFFFFF  }
0xc1: {  	(tm) =	ssettm $0x7FFFFFFF  }
tec
execute0_lowered:
.L_overlay_start_1:
0x0: {  	(tag) =	ssettag $0x1  }
0x1: {  	s3 =	rddreg [dreg:$0x0]  }
0x2: {  	s0 =	rddreg [dreg:$0x1];
	s2 =	simm.s32 $0x0;
	s4 =	srdreg.scid  }
0x3: {  	s1 =	stileid.u32;
	s8 =	simm.s32 $0x10000;
	s9 =	simm.s32 $0x14000  }
0x4: {  	[smem:$0x7FF] =	sst s2;
	s4 =	sand.u32 $0x1, s4;
	s5 =	sshll.u32 s1, $0x1  }
0x5: {  	s10 =	simm.s32 $0x0;
	_ =	strace $0x80000047;
	s5 =	sor.u32 s4, s5  }
0x6: {  	v0 =	vlaneseq.u32;
	s4 =	ssub.s32 $0x2, s4;
	s6 =	sshll.u32 s5, $0xD;
	s5 =	sshll.u32 s5, $0xB  }
0x7: {  	v4 =	vmul.u32 $0xFFFFFFFF, v0;
	s31 =	sshrl.u32 s4, $0x1;
	s6 =	sadd.s32 s6, s3;
	s5 =	sadd.s32 s5, s3  }
0x8: {  	vm0 =	vmmov $0xff;
	v1 =	vor.u32 $0x10, v0;
	s7 =	ssub.s32 s4, s31;
	s3 =	sadd.s32 $0xC00, s6;
	s4 =	sadd.s32 $0x40C00, s5  }
0x9: {  	v2 =	vor.u32 $0x20, v0;
	v3 =	vor.u32 $0x30, v0;
	v4 =	vadd.s32 $0xF, v4;
	s5 =	sadd.s32 $0x50C00, s5;
	s6 =	smax.u32 s7, $0x1;
	s7 =	simm.s32 $0x1  }
.LBB2_1:
0xa: {  	[tilespmem:s2], [sflag:$0x1] =	stream.linear.gather [hbm4b:s3+s2], $0x10000, $0x38;
	[tilespmem:$0x18100] =	vst v63  }
0xb: {  	_ =	swait.ge [sflag:s7], $0x10000  }
0xc: {  	[sflag:s7] =	ssyncset.done $0x0  }
0xd: {  	s11 =	simm.s32 $0x20;
	[sflag:s7] =	ssyncadd.s32 $0xFFFF0000  }
0xe: {  	v5 =	vld [tilespmem:s11+$0x10];
	_ =	sdelay $0x1  }
0xf: {  	v6 =	vld [tilespmem:s11+$0x0];
	_ =	sdelay $0x2  }
0x10: {  	(xrf1) =	vsort.dscd.msk.f32 $0xffff, v5, v3;
	_ =	sdelay $0x1  }
0x11: {  	(xrf1) =	vsort.dscd.msk.f32 $0xffff, v6, v2  }
0x12: {  	v5 =	vld [tilespmem:s11+$0xFFFFFFF0];
	_ =	sdelay $0x1  }
0x13: {  	v6 =	vld [tilespmem:s11+$0xFFFFFFE0];
	_ =	sdelay $0x2  }
0x14: {  	(xrf1) =	vsort.dscd.msk.f32 $0xffff, v5, v1;
	_ =	sdelay $0x1  }
0x15: {  	(xrf1) =	vsort.dscd.msk.f32 $0xffff, v6, v0;
	_ =	sdelay $0x3  }
0x16: {  	v5, v6, _ =	vpop (xrf1)  }
0x17: {  	v5 =	vperm.xlane v5, v4  }
0x18: {  	v6 =	vperm.xlane v6, v4;
	v7, v8, _ =	vpop (xrf1)  }
0x19: {  	vm1 =	vge.f32 v7, v5  }
0x1a: {  	v5 =	vsel vm1, v7, v5;
	v6 =	vsel vm1, v8, v6  }
0x1b: {  	(xrf1) =	vsort.dscd.msk.f32 $0xffff, v5, v6;
	_ =	sdelay $0x2  }
0x1c: {  	v5, v6, _ =	vpop (xrf1)  }
0x1d: {  	v5 =	vperm.xlane v5, v4  }
0x1e: {  	v6 =	vperm.xlane v6, v4;
	v7, v62, _ =	vpop (xrf1)  }
0x1f: {  	vm1 =	vge.f32 v7, v5  }
0x20: {  	v5 =	vsel vm1, v7, v5;
	v6 =	vsel vm1, v62, v6  }
0x21: {  	(xrf1) =	vsort.dscd.msk.f32 $0xffff, v5, v6;
	_ =	sdelay $0x5  }
0x22: {  	v5, v6, _ =	vpop (xrf1)  }
0x23: {  	v5 =	vperm.xlane v5, v4;
	_ =	sdelay $0x1  }
0x24: {  	v6 =	vperm.xlane v6, v4;
	[tilespmem:$0x18000] =	vst v5  }
0x25: {  	v5 =	vld [tilespmem:$0x18008]  }
0x26: {  	[tilespmem:$0x18080] =	vst v6  }
0x27: {  	v6 =	vld [tilespmem:$0x18088];
	_ =	sdelay $0x1  }
0x28: {  	v7, v63, _ =	vpop (xrf1)  }
0x29: {  	vm1 =	vge.f32 v7, v5  }
0x2a: {  	v5 =	vnsel vm0, $0xFF800000, v5;
	vm2 =	vmand vm1, vm0  }
0x2b: {  	v6 =	vsel vm1, v63, v6;
	v5 =	vsel vm2, v7, v5  }
0x2c: {  	(xrf1) =	vsort.dscd.msk.f32 $0xffff, v5, v6;
	_ =	sdelay $0xd  }
0x2d: {  	v5, v6, _ =	vpop (xrf1)  }
0x2e: {  	(xrf0) =	vmax.scan.msk.f32 $0xffff, v5;
	_ =	sdelay $0x5  }
0x2f: {  	v7, _, _ =	vpop (xrf0)  }
0x30: {  	v7 =	vbroadcast v7, $0xF;
	_ =	sdelay $0x1  }
0x31: {  	v5 =	vsub.f32 v5, v7;
	_ =	sdelay $0x1  }
0x32: {  	v5 =	vmul.f32 $1.442695020e+00, v5;
	_ =	sdelay $0x1  }
0x33: {  	(erf) = vpow2.f32 v5;
	_ =	sdelay $0x8  }
0x34: {  	v5 =	vpop (erf)  }
0x35: {  	(xrf2) =	vadd.scan.msk.f32 $0xffff, v5;
	_ =	sdelay $0x9  }
0x36: {  	v7, _, _ =	vpop (xrf2)  }
0x37: {  	(v2sf) =	vpush v7, $0xF;
	_ =	sdelay $0xe  }
0x38: {  	s12 =	spop (v2sf)  }
0x39: {  	s12 =	sadd.f32 $9.999999930e-09, s12;
	_ =	sdelay $0x1  }
0x3a: {  	v7 =	vmov s12  }
0x3b: {  	(erf) = vrcp.f32 v7;
	_ =	sdelay $0x8  }
0x3c: {  	s13 =	simm.s32 $0x0;
	v7 =	vpop (erf)  }
0x3d: {  	[tilespmem:s13+$0x14000] =	vst v6;
	s12 =	simm.s32 $0x40;
	v5 =	vmul.f32 v7, v5  }
.LBB2_2:
0x3e: {  	p0 =	sne.s32 s12, $0xFFC0  }
0x3f: {  	s11 =	sadd.s32 $0x40, s11;
	[tilespmem:s13+$0x10000] =	vst v5;
	s13 =	smov.u32 s12;
	s12 =	sadd.s32 $0x40, s12  }
0x40: {  	v5 =	vld [tilespmem:s11+$0x10];
	_ =	sdelay $0x1  }
0x41: {  	v6 =	vld [tilespmem:s11+$0x0];
	_ =	sdelay $0x2  }
0x42: {  	(xrf1) =	vsort.dscd.msk.f32 $0xffff, v5, v3;
	_ =	sdelay $0x1  }
0x43: {  	(xrf1) =	vsort.dscd.msk.f32 $0xffff, v6, v2  }
0x44: {  	v5 =	vld [tilespmem:s11+$0xFFFFFFF0];
	_ =	sdelay $0x1  }
0x45: {  	v6 =	vld [tilespmem:s11+$0xFFFFFFE0];
	_ =	sdelay $0x2  }
0x46: {  	(xrf1) =	vsort.dscd.msk.f32 $0xffff, v5, v1;
	_ =	sdelay $0x1  }
0x47: {  	(xrf1) =	vsort.dscd.msk.f32 $0xffff, v6, v0;
	_ =	sdelay $0x3  }
0x48: {  	v5, v6, _ =	vpop (xrf1)  }
0x49: {  	v5 =	vperm.xlane v5, v4  }
0x4a: {  	v6 =	vperm.xlane v6, v4;
	v7, v8, _ =	vpop (xrf1)  }
0x4b: {  	vm1 =	vge.f32 v7, v5  }
0x4c: {  	v5 =	vsel vm1, v7, v5;
	v6 =	vsel vm1, v8, v6  }
0x4d: {  	(xrf1) =	vsort.dscd.msk.f32 $0xffff, v5, v6;
	_ =	sdelay $0x2  }
0x4e: {  	v5, v6, _ =	vpop (xrf1)  }
0x4f: {  	v5 =	vperm.xlane v5, v4  }
0x50: {  	v6 =	vperm.xlane v6, v4;
	v7, v8, _ =	vpop (xrf1)  }
0x51: {  	vm1 =	vge.f32 v7, v5  }
0x52: {  	v5 =	vsel vm1, v7, v5;
	v6 =	vsel vm1, v8, v6  }
0x53: {  	(xrf1) =	vsort.dscd.msk.f32 $0xffff, v5, v6;
	_ =	sdelay $0x5  }
0x54: {  	v5, v6, _ =	vpop (xrf1)  }
0x55: {  	v5 =	vperm.xlane v5, v4;
	v6 =	vperm.xlane v6, v4;
	_ =	sdelay $0x1  }
0x56: {  	[tilespmem:$0x18000] =	vst v5  }
0x57: {  	[tilespmem:$0x18080] =	vst v6;
	v5 =	vld [tilespmem:$0x18008];
	_ =	sdelay $0x1  }
0x58: {  	v6 =	vld [tilespmem:$0x18088];
	_ =	sdelay $0x1  }
0x59: {  	v7, v8, _ =	vpop (xrf1)  }
0x5a: {  	vm1 =	vge.f32 v7, v5  }
0x5b: {  	v5 =	vnsel vm0, $0xFF800000, v5;
	vm2 =	vmand vm1, vm0  }
0x5c: {  	v5 =	vsel vm2, v7, v5;
	v6 =	vsel vm1, v8, v6  }
0x5d: {  	(xrf1) =	vsort.dscd.msk.f32 $0xffff, v5, v6;
	_ =	sdelay $0xd  }
0x5e: {  	s13 =	sshra.s32 s13, $0x2;
	v5, v6, _ =	vpop (xrf1)  }
0x5f: {  	[tilespmem:s13+$0x14000] =	vst v6;
	(xrf0) =	vmax.scan.msk.f32 $0xffff, v5;
	_ =	sdelay $0x5  }
0x60: {  	v6, _, _ =	vpop (xrf0)  }
0x61: {  	v6 =	vbroadcast v6, $0xF;
	_ =	sdelay $0x1  }
0x62: {  	v5 =	vsub.f32 v5, v6;
	_ =	sdelay $0x1  }
0x63: {  	v5 =	vmul.f32 $1.442695020e+00, v5;
	_ =	sdelay $0x1  }
0x64: {  	(erf) = vpow2.f32 v5;
	_ =	sdelay $0x8  }
0x65: {  	v5 =	vpop (erf)  }
0x66: {  	(xrf2) =	vadd.scan.msk.f32 $0xffff, v5;
	_ =	sdelay $0x9  }
0x67: {  	v6, _, _ =	vpop (xrf2)  }
0x68: {  	(v2sf) =	vpush v6, $0xF;
	_ =	sdelay $0xe  }
0x69: {  	s14 =	spop (v2sf)  }
0x6a: {  	s14 =	sadd.f32 $9.999999930e-09, s14;
	_ =	sdelay $0x1  }
0x6b: {  	v6 =	vmov s14  }
0x6c: {  	(erf) = vrcp.f32 v6;
	_ =	sdelay $0x5  }
.Ltmp0:
0x6d: {  	(pc) =	sbr.rel @p0 .LBB2_2-.Ltmp0, $3  }
0x6e: {  	_ =	sdelay $0x1  }
0x6f: {  	v6 =	vpop (erf)  }
0x70: {  	v5 =	vmul.f32 v6, v5  }
0x71: {  	_ = 	snop  }
0x72: {  	[tilespmem:s13+$0x10000] =	vst v5  }
0x73: {  	[hbm4b:s4+s2] =	stream.linear.scatter [tilespmem:s8], [sflag:$0x1], $0x4000, $0x38;
	[tilespmem:$0x18100] =	vst v63  }
0x74: {  	s10 =	sadd.s32 $0x1, s10;
	_ =	swait.ge [sflag:s7], $0x4000  }
0x75: {  	p0 =	sne.s32 s10, s6;
	[sflag:s7] =	ssyncset.done $0x0  }
.Ltmp1:
0x76: {  	[sflag:s7] =	ssyncadd.s32 $0xFFFFC000;
	(pc) =	sbr.rel @p0 .LBB2_1-.Ltmp1, $4  }
0x77: {  	[hbm4b:s5+s2] =	stream.linear.scatter [tilespmem:s9], [sflag:$0x1], $0x4000, $0x38;
	[tilespmem:$0x18100] =	vst v63  }
0x78: {  	_ =	swait.ge [sflag:s7], $0x4000  }
0x79: {  	[sflag:s7] =	ssyncset.done $0x0  }
0x7a: {  	[sflag:s7] =	ssyncadd.s32 $0xFFFFC000  }
0x7b: {  	_ =	sfence.sel $0x180000  }
0x7c: {  	[bflag:$0x0] =	sbarrier.arrive $0xFFFF  }
0x7d: {  	p0 =	sne.s32 s1, $0x0;
	_ =	strace $0x90000047  }
0x7e: {  	s0 =	sadd.s32 @!p0 $0x100000, s0;
	[bflag:$0x2] =	sbarrier.arrive $0xFFFF  }
0x7f: {  	[sflag:s0] =	ssyncadd.tile.s32 @!p0 $0x1;
	_ =	shalt  }
.Lfunc_end2:
_tile_overlayer_lowered:
.L_overlay_start_2:
0x80: {  	(tag) =	ssettag $0x2  }
0x81: {  	s0 =	rddreg [dreg:$0x0];
	s2 =	stileid.u32  }
0x82: {  	s1 =	rddreg [dreg:$0x1];
	p0 =	sne.s32 s2, $0x0  }
0x83: {  	s3 =	rddreg [dreg:$0x2];
	[bflag:$0x3] =	sbarrier.arrive $0xFFFF;
	s2 =	simm.s32 @!p0 $0x1C01  }
0x84: {  	[timem:s3], [sflag:s2] =	dma.local @!p0 [hbm:s0], s1  }
0x85: {  	s0 =	simm.s32 @!p0 $0x1  }
0x86: {  	_ =	swait.ge @!p0 [sflag:s0], s1  }
0x87: {  	s1 =	ssub.s32 @!p0 $0x0, s1;
	[sflag:s0] =	ssyncset.done @!p0 $0x0  }
0x88: {  	[sflag:s0] =	ssyncadd.s32 @!p0 s1  }
0x89: {  	[bflag:$0x3] =	sbarrier.arrive $0xFFFF  }
0x8a: {  	_ =	shalt  }

</sc_bundles>
